<compile_context>
chip_gen: v7x
topology: tpu7x:2x2x1
jax: 0.10.2.dev20260603
libtpu: 0.0.44.dev20260713+nightly
codegen_flags: <defaults>
</compile_context>

<pallas_src>
import functools

import jax
import jax.numpy as jnp
from jax import lax
from jax.experimental import pallas as pl
from jax.experimental.pallas import tpu as pltpu
from jax.experimental.pallas import tpu_sc as plsc

B = 16384
K = 128
L = 16
NCH = 2


@functools.lru_cache(maxsize=None)
def _build(nc: int, ns: int):
    nw = nc * ns
    bpw = B // nw
    ch = bpw // NCH
    ch_vec = ch // L

    @functools.partial(
        pl.kernel,
        mesh=plsc.VectorSubcoreMesh(core_axis_name="c", subcore_axis_name="s"),
        out_type=jax.ShapeDtypeStruct((B,), jnp.float32),
        compiler_params=pltpu.CompilerParams(
            needs_layout_passes=False,
            skip_device_barrier=True,
            disable_bounds_checks=True,
            disable_semaphore_checks=True,
        ),
        scratch_types=[
            pltpu.VMEM((bpw,), jnp.float32),
            pltpu.VMEM((bpw, K), jnp.float32),
            pltpu.VMEM((bpw,), jnp.float32),
            pltpu.SemaphoreType.DMA,
            pltpu.SemaphoreType.DMA,
            pltpu.SemaphoreType.DMA,
            pltpu.SemaphoreType.DMA,
            pltpu.SemaphoreType.DMA,
        ],
    )
    def sc_gather(zt_hbm, a_hbm, out_hbm, zcol, av, vals, sem_z, *sem_a):
        wid = lax.axis_index("s") * nc + lax.axis_index("c")
        base = wid * bpw

        copies = [
            pltpu.async_copy(
                a_hbm.at[pl.ds(base + j * ch, ch)],
                av.at[pl.ds(j * ch, ch)],
                sem_a[j],
            )
            for j in range(NCH)
        ]
        cz = pltpu.async_copy(zt_hbm.at[0, pl.ds(base, bpw)], zcol, sem_z)
        cz.wait()

        for j in range(NCH):
            copies[j].wait()

            def step(i, carry):
                r16 = lax.iota(jnp.int32, L) + (i * L)
                slot16 = zcol[pl.ds(i * L, L)].astype(jnp.int32)
                v = plsc.load_gather(av, [r16, slot16])
                vals[pl.ds(i * L, L)] = v * jnp.float32(0.999)
                return carry

            lax.fori_loop(j * ch_vec, (j + 1) * ch_vec, step, 0)

        pltpu.sync_copy(vals, out_hbm.at[pl.ds(base, bpw)])

    return sc_gather


def kernel(z, a):
    info = plsc.get_sparse_core_info()
    return _build(info.num_cores, info.num_subcores)(z.T, a)

# --- scband reference (transcript-rebuilt; emitter-appended) ---
"""Pipeline reference for scband-fcnnshape-counter-valuation-function-27419071217674 (READ-ONLY COPY).

The authoritative reference and input builder live on the scoring server;
editing this copy changes nothing except your own understanding.
"""

import jax, jax.numpy as jnp
import numpy as np

ATTR_INDEX = 0  # stand-in for config.group_tensor_index['shape_counter']

def setup_inputs(seed: int = 0) -> dict:
    key = jax.random.key(seed)
    k1, k2 = jax.random.split(key)
    # z: float tensor whose ATTR_INDEX column encodes an integer slot index in [0, 128)
    z = jax.random.randint(k1, (16384, 26), 0, 128).astype(jnp.float32)
    a = jax.random.uniform(k2, (16384, 128), dtype=jnp.float32)
    return {"z": z, "a": a}

def reference(z, a):
    # tensor_index = z[:, attr_index].to(torch.long)
    idx = z[:, ATTR_INDEX].astype(jnp.int32)
    # z_shapeCounter = zeros(a.shape); z_shapeCounter[i, idx[i]] = 0.999 (scatter-overwrite)
    rows = jnp.arange(a.shape[0])
    z_shape_counter = jnp.zeros(a.shape, dtype=a.dtype).at[rows, idx].set(0.999)
    return (a * z_shape_counter).sum(axis=1)

if __name__ == "__main__":
    import jax
    _d = setup_inputs()
    print(jax.jit(kernel)(*tuple(_d.values())))

</pallas_src>

<mosaic_0001>
#map = affine_map<(d0, d1) -> (0, 0)>
#map1 = affine_map<(d0, d1) -> (0)>
module attributes {stable_mosaic.version = 14 : i64} {
  func.func @sc_gather(%arg0: i32, %arg1: i32, %arg2: memref<26x16384xf32, #tpu.memory_space<hbm>>, %arg3: memref<16384x128xf32, #tpu.memory_space<hbm>>, %arg4: memref<16384xf32, #tpu.memory_space<hbm>>, %arg5: memref<512xf32, #tpu.memory_space<vmem>>, %arg6: memref<512x128xf32, #tpu.memory_space<vmem>>, %arg7: memref<512xf32, #tpu.memory_space<vmem>>, %arg8: memref<!tpu.dma_semaphore, #tpu.memory_space<semaphore_mem>>, %arg9: memref<!tpu.dma_semaphore, #tpu.memory_space<semaphore_mem>>, %arg10: memref<!tpu.dma_semaphore, #tpu.memory_space<semaphore_mem>>, %arg11: memref<!tpu.dma_semaphore, #tpu.memory_space<semaphore_mem>>, %arg12: memref<!tpu.dma_semaphore, #tpu.memory_space<semaphore_mem>>) attributes {dimension_semantics = [#tpu.dimension_semantics<core_parallel>, #tpu.dimension_semantics<subcore_parallel>], iteration_bounds = array<i64: 2, 16>, scalar_prefetch = 0 : i64, scratch_operands = 8 : i64, tpu.core_type = #tpu.core_type<sc_vector_subcore>, window_params = [{transform_indices = #map}, {transform_indices = #map}, {transform_indices = #map1}]} {
    %mul3A = arith.constant 2 : i32
    %mul3A_0 = arith.muli %arg1, %mul3A : i32
    %add3A = arith.addi %mul3A_0, %arg0 : i32
    %mul3A_1 = arith.constant 512 : i32
    %mul3A_2 = arith.muli %add3A, %mul3A_1 : i32
    %add3A_3 = arith.constant 0 : i32
    %add3A_4 = arith.addi %mul3A_2, %add3A_3 : i32
    %dma_start3A = arith.constant 0 : i32
    %dma_start3A_5 = arith.constant 0 : i32
    %dma_start3A_6 = tpu.memref_slice %arg6[%dma_start3A, %dma_start3A_5] : memref<512x128xf32, #tpu.memory_space<vmem>> -> memref<256x128xf32, #tpu.memory_space<vmem>>
    %dma_start3A_7 = arith.constant 0 : i32
    %dma_start3A_8 = tpu.memref_slice %arg3[%add3A_4, %dma_start3A_7] : memref<16384x128xf32, #tpu.memory_space<hbm>> -> memref<256x128xf32, #tpu.memory_space<hbm>>
    %dma_start3A_9 = arith.constant 0 : i32
    %dma_start3A_10 = arith.constant 0 : i32
    %dma_start3A_11 = tpu.memref_slice %arg6[%dma_start3A_9, %dma_start3A_10] : memref<512x128xf32, #tpu.memory_space<vmem>> -> memref<256x128xf32, #tpu.memory_space<vmem>>
    %dma_start3A_12 = arith.constant 0 : i32
    %dma_start3A_13 = tpu.memref_slice %arg3[%add3A_4, %dma_start3A_12] : memref<16384x128xf32, #tpu.memory_space<hbm>> -> memref<256x128xf32, #tpu.memory_space<hbm>>
    tpu.enqueue_dma source(%dma_start3A_13 : memref<256x128xf32, #tpu.memory_space<hbm>>) target(%dma_start3A_11 : memref<256x128xf32, #tpu.memory_space<vmem>>) target_semaphore(%arg9 : memref<!tpu.dma_semaphore, #tpu.memory_space<semaphore_mem>>)
    %add3A_14 = arith.constant 256 : i32
    %add3A_15 = arith.addi %mul3A_2, %add3A_14 : i32
    %dma_start3A_16 = arith.constant 256 : i32
    %dma_start3A_17 = arith.constant 0 : i32
    %dma_start3A_18 = tpu.memref_slice %arg6[%dma_start3A_16, %dma_start3A_17] : memref<512x128xf32, #tpu.memory_space<vmem>> -> memref<256x128xf32, #tpu.memory_space<vmem>>
    %dma_start3A_19 = arith.constant 0 : i32
    %dma_start3A_20 = tpu.memref_slice %arg3[%add3A_15, %dma_start3A_19] : memref<16384x128xf32, #tpu.memory_space<hbm>> -> memref<256x128xf32, #tpu.memory_space<hbm>>
    %dma_start3A_21 = arith.constant 256 : i32
    %dma_start3A_22 = arith.constant 0 : i32
    %dma_start3A_23 = tpu.memref_slice %arg6[%dma_start3A_21, %dma_start3A_22] : memref<512x128xf32, #tpu.memory_space<vmem>> -> memref<256x128xf32, #tpu.memory_space<vmem>>
    %dma_start3A_24 = arith.constant 0 : i32
    %dma_start3A_25 = tpu.memref_slice %arg3[%add3A_15, %dma_start3A_24] : memref<16384x128xf32, #tpu.memory_space<hbm>> -> memref<256x128xf32, #tpu.memory_space<hbm>>
    tpu.enqueue_dma source(%dma_start3A_25 : memref<256x128xf32, #tpu.memory_space<hbm>>) target(%dma_start3A_23 : memref<256x128xf32, #tpu.memory_space<vmem>>) target_semaphore(%arg10 : memref<!tpu.dma_semaphore, #tpu.memory_space<semaphore_mem>>)
    %dma_start3A_26 = arith.constant 0 : i32
    %dma_start3A_27 = tpu.memref_slice %arg2[%dma_start3A_26, %mul3A_2] : memref<26x16384xf32, #tpu.memory_space<hbm>> -> memref<1x512xf32, #tpu.memory_space<hbm>>
    %dma_start3A_28 = tpu.memref_squeeze %dma_start3A_27 : memref<1x512xf32, #tpu.memory_space<hbm>> -> memref<512xf32, #tpu.memory_space<hbm>>
    %dma_start3A_29 = tpu.memref_slice %arg2[%dma_start3A_26, %mul3A_2] : memref<26x16384xf32, #tpu.memory_space<hbm>> -> memref<1x512xf32, #tpu.memory_space<hbm>>
    %dma_start3A_30 = tpu.memref_squeeze %dma_start3A_29 : memref<1x512xf32, #tpu.memory_space<hbm>> -> memref<512xf32, #tpu.memory_space<hbm>>
    tpu.enqueue_dma source(%dma_start3A_30 : memref<512xf32, #tpu.memory_space<hbm>>) target(%arg5 : memref<512xf32, #tpu.memory_space<vmem>>) target_semaphore(%arg8 : memref<!tpu.dma_semaphore, #tpu.memory_space<semaphore_mem>>)
    %dma_wait3A = arith.constant 0 : i32
    %dma_wait3A_31 = tpu.memref_slice %arg2[%dma_wait3A, %mul3A_2] : memref<26x16384xf32, #tpu.memory_space<hbm>> -> memref<1x512xf32, #tpu.memory_space<hbm>>
    %dma_wait3A_32 = tpu.memref_squeeze %dma_wait3A_31 : memref<1x512xf32, #tpu.memory_space<hbm>> -> memref<512xf32, #tpu.memory_space<hbm>>
    %dma_wait3A_33 = tpu.memref_slice %arg2[%dma_wait3A, %mul3A_2] : memref<26x16384xf32, #tpu.memory_space<hbm>> -> memref<1x512xf32, #tpu.memory_space<hbm>>
    %dma_wait3A_34 = tpu.memref_squeeze %dma_wait3A_33 : memref<1x512xf32, #tpu.memory_space<hbm>> -> memref<512xf32, #tpu.memory_space<hbm>>
    tpu.wait_dma2 semaphore(%arg8 : memref<!tpu.dma_semaphore, #tpu.memory_space<semaphore_mem>>) src(%dma_wait3A_34 : memref<512xf32, #tpu.memory_space<hbm>>) dst(%arg5 : memref<512xf32, #tpu.memory_space<vmem>>)
    %dma_wait3A_35 = arith.constant 0 : i32
    %dma_wait3A_36 = arith.constant 0 : i32
    %dma_wait3A_37 = tpu.memref_slice %arg6[%dma_wait3A_35, %dma_wait3A_36] : memref<512x128xf32, #tpu.memory_space<vmem>> -> memref<256x128xf32, #tpu.memory_space<vmem>>
    %dma_wait3A_38 = arith.constant 0 : i32
    %dma_wait3A_39 = tpu.memref_slice %arg3[%add3A_4, %dma_wait3A_38] : memref<16384x128xf32, #tpu.memory_space<hbm>> -> memref<256x128xf32, #tpu.memory_space<hbm>>
    %dma_wait3A_40 = arith.constant 0 : i32
    %dma_wait3A_41 = arith.constant 0 : i32
    %dma_wait3A_42 = tpu.memref_slice %arg6[%dma_wait3A_40, %dma_wait3A_41] : memref<512x128xf32, #tpu.memory_space<vmem>> -> memref<256x128xf32, #tpu.memory_space<vmem>>
    %dma_wait3A_43 = arith.constant 0 : i32
    %dma_wait3A_44 = tpu.memref_slice %arg3[%add3A_4, %dma_wait3A_43] : memref<16384x128xf32, #tpu.memory_space<hbm>> -> memref<256x128xf32, #tpu.memory_space<hbm>>
    tpu.wait_dma2 semaphore(%arg9 : memref<!tpu.dma_semaphore, #tpu.memory_space<semaphore_mem>>) src(%dma_wait3A_44 : memref<256x128xf32, #tpu.memory_space<hbm>>) dst(%dma_wait3A_42 : memref<256x128xf32, #tpu.memory_space<vmem>>)
    %scan3A = arith.constant 0 : i32
    %scan3A_45 = arith.constant 0 : i32
    %scan3A_46 = arith.constant 16 : i32
    %scan3A_47 = arith.addi %scan3A_45, %scan3A_46 : i32
    %scan3A_48 = arith.constant 1 : i32
    scf.for %scan3A_66 = %scan3A_45 to %scan3A_47 step %scan3A_48  : i32 {
      %iota3A = tpu.iota {dimensions = array<i32: 0>} : vector<16xi32>
      %mul3A_67 = arith.constant 16 : i32
      %mul3A_68 = arith.muli %scan3A_66, %mul3A_67 : i32
      %add3A_69 = vector.broadcast %mul3A_68 : i32 to vector<16xi32>
      %add3A_70 = arith.addi %iota3A, %add3A_69 : vector<16xi32>
      %mul3A_71 = arith.constant 16 : i32
      %mul3A_72 = arith.muli %scan3A_66, %mul3A_71 : i32
      %get3A = arith.index_cast %mul3A_72 : i32 to index
      %get3A_73 = tpu.vector_load %arg5[%get3A] {strides = array<i32>} : memref<512xf32, #tpu.memory_space<vmem>>, vector<16xf32>,
      %convert_element_type3A = arith.fptosi %get3A_73 : vector<16xf32> to vector<16xi32>
      %gather3A = tpu.vector_load_idx %arg6[%add3A_70, %convert_element_type3A] : memref<512x128xf32, #tpu.memory_space<vmem>>[vector<16xi32>, vector<16xi32>], vector<16xf32>,
      %mul3A_74 = arith.constant 9.990000e-01 : f32
      %mul3A_75 = vector.broadcast %mul3A_74 : f32 to vector<16xf32>
      %mul3A_76 = arith.mulf %gather3A, %mul3A_75 : vector<16xf32>
      %mul3A_77 = arith.constant 16 : i32
      %mul3A_78 = arith.muli %scan3A_66, %mul3A_77 : i32
      %swap3A = arith.index_cast %mul3A_78 : i32 to index
      %swap3A_79 = tpu.vector_load %arg7[%swap3A] {strides = array<i32>} : memref<512xf32, #tpu.memory_space<vmem>>, vector<16xf32>,
      tpu.vector_store %arg7[%swap3A], %mul3A_76 {strides = array<i32>} : memref<512xf32, #tpu.memory_space<vmem>>, vector<16xf32>,
    }
    %scan3A_49 = arith.constant 16 : i32
    %dma_wait3A_50 = arith.constant 256 : i32
    %dma_wait3A_51 = arith.constant 0 : i32
    %dma_wait3A_52 = tpu.memref_slice %arg6[%dma_wait3A_50, %dma_wait3A_51] : memref<512x128xf32, #tpu.memory_space<vmem>> -> memref<256x128xf32, #tpu.memory_space<vmem>>
    %dma_wait3A_53 = arith.constant 0 : i32
    %dma_wait3A_54 = tpu.memref_slice %arg3[%add3A_15, %dma_wait3A_53] : memref<16384x128xf32, #tpu.memory_space<hbm>> -> memref<256x128xf32, #tpu.memory_space<hbm>>
    %dma_wait3A_55 = arith.constant 256 : i32
    %dma_wait3A_56 = arith.constant 0 : i32
    %dma_wait3A_57 = tpu.memref_slice %arg6[%dma_wait3A_55, %dma_wait3A_56] : memref<512x128xf32, #tpu.memory_space<vmem>> -> memref<256x128xf32, #tpu.memory_space<vmem>>
    %dma_wait3A_58 = arith.constant 0 : i32
    %dma_wait3A_59 = tpu.memref_slice %arg3[%add3A_15, %dma_wait3A_58] : memref<16384x128xf32, #tpu.memory_space<hbm>> -> memref<256x128xf32, #tpu.memory_space<hbm>>
    tpu.wait_dma2 semaphore(%arg10 : memref<!tpu.dma_semaphore, #tpu.memory_space<semaphore_mem>>) src(%dma_wait3A_59 : memref<256x128xf32, #tpu.memory_space<hbm>>) dst(%dma_wait3A_57 : memref<256x128xf32, #tpu.memory_space<vmem>>)
    %scan3A_60 = arith.constant 0 : i32
    %scan3A_61 = arith.constant 16 : i32
    %scan3A_62 = arith.constant 16 : i32
    %scan3A_63 = arith.addi %scan3A_61, %scan3A_62 : i32
    %scan3A_64 = arith.constant 1 : i32
    scf.for %scan3A_66 = %scan3A_61 to %scan3A_63 step %scan3A_64  : i32 {
      %iota3A = tpu.iota {dimensions = array<i32: 0>} : vector<16xi32>
      %mul3A_67 = arith.constant 16 : i32
      %mul3A_68 = arith.muli %scan3A_66, %mul3A_67 : i32
      %add3A_69 = vector.broadcast %mul3A_68 : i32 to vector<16xi32>
      %add3A_70 = arith.addi %iota3A, %add3A_69 : vector<16xi32>
      %mul3A_71 = arith.constant 16 : i32
      %mul3A_72 = arith.muli %scan3A_66, %mul3A_71 : i32
      %get3A = arith.index_cast %mul3A_72 : i32 to index
      %get3A_73 = tpu.vector_load %arg5[%get3A] {strides = array<i32>} : memref<512xf32, #tpu.memory_space<vmem>>, vector<16xf32>,
      %convert_element_type3A = arith.fptosi %get3A_73 : vector<16xf32> to vector<16xi32>
      %gather3A = tpu.vector_load_idx %arg6[%add3A_70, %convert_element_type3A] : memref<512x128xf32, #tpu.memory_space<vmem>>[vector<16xi32>, vector<16xi32>], vector<16xf32>,
      %mul3A_74 = arith.constant 9.990000e-01 : f32
      %mul3A_75 = vector.broadcast %mul3A_74 : f32 to vector<16xf32>
      %mul3A_76 = arith.mulf %gather3A, %mul3A_75 : vector<16xf32>
      %mul3A_77 = arith.constant 16 : i32
      %mul3A_78 = arith.muli %scan3A_66, %mul3A_77 : i32
      %swap3A = arith.index_cast %mul3A_78 : i32 to index
      %swap3A_79 = tpu.vector_load %arg7[%swap3A] {strides = array<i32>} : memref<512xf32, #tpu.memory_space<vmem>>, vector<16xf32>,
      tpu.vector_store %arg7[%swap3A], %mul3A_76 {strides = array<i32>} : memref<512xf32, #tpu.memory_space<vmem>>, vector<16xf32>,
    }
    %scan3A_65 = arith.constant 16 : i32
    "tpu.region"() ({
      %run_scoped3A = tpu.sem_alloc : memref<!tpu.dma_semaphore, #tpu.memory_space<semaphore_mem>>
      %dma_start3A_66 = tpu.memref_slice %arg4[%mul3A_2] : memref<16384xf32, #tpu.memory_space<hbm>> -> memref<512xf32, #tpu.memory_space<hbm>>
      %dma_start3A_67 = tpu.memref_slice %arg4[%mul3A_2] : memref<16384xf32, #tpu.memory_space<hbm>> -> memref<512xf32, #tpu.memory_space<hbm>>
      tpu.enqueue_dma source(%arg7 : memref<512xf32, #tpu.memory_space<vmem>>) target(%dma_start3A_67 : memref<512xf32, #tpu.memory_space<hbm>>) target_semaphore(%run_scoped3A : memref<!tpu.dma_semaphore, #tpu.memory_space<semaphore_mem>>)
      %dma_wait3A_68 = tpu.memref_slice %arg4[%mul3A_2] : memref<16384xf32, #tpu.memory_space<hbm>> -> memref<512xf32, #tpu.memory_space<hbm>>
      %dma_wait3A_69 = tpu.memref_slice %arg4[%mul3A_2] : memref<16384xf32, #tpu.memory_space<hbm>> -> memref<512xf32, #tpu.memory_space<hbm>>
      tpu.wait_dma2 semaphore(%run_scoped3A : memref<!tpu.dma_semaphore, #tpu.memory_space<semaphore_mem>>) src(%arg7 : memref<512xf32, #tpu.memory_space<vmem>>) dst(%dma_wait3A_69 : memref<512xf32, #tpu.memory_space<hbm>>)
      tpu.yield
    }) : () -> ()
    return
  }
}

</mosaic_0001>

<sc_bundles>
// kernel: kernel.3.cloned.1.call-start
scs
__scs_entry_jumppad:
0x0: {  	(pc) =	sbr.rel $0x88, $3  }
0x1: {  	(tag) =	ssettag $0x0;
	lr =	simm.s32 $0x1  }
0x2: {  	[smem:$0x3F9F] =	sst lr;
	_ =	strace $0xD0000000  }
0x3: {  	_ = 	snop  }
0x4: {  	_ = 	snop  }
0x5: {  	_ = 	snop  }
0x6: {  	_ = 	snop  }
0x7: {  	_ = 	snop  }
__scs_overlays_trampoline_lowered:
0x8: {  	[smem:$0x3FAE] =	sst s0  }
0x9: {  	[smem:$0x3FAF] =	sst s1  }
0xa: {  	[smem:$0x3FB0] =	sst s2  }
0xb: {  	[smem:$0x3FB1] =	sst s3  }
0xc: {  	[smem:$0x3FB2] =	sst s4  }
0xd: {  	[smem:$0x3FB3] =	sst s5  }
0xe: {  	[smem:$0x3FB4] =	sst s6  }
0xf: {  	[smem:$0x3FB5] =	sst s7  }
0x10: {  	[smem:$0x3FB6] =	sst s8  }
0x11: {  	[smem:$0x3FB7] =	sst s9;
	s0 =	simm.s32 @!p0 $0x0  }
0x12: {  	s1 =	sld [smem:$0x3F9D];
	s0 =	simm.s32 @p0 $0x1  }
0x13: {  	[smem:$0x3FB8] =	sst s0;
	s0 =	simm.s32 @!p1 $0x0  }
0x14: {  	s2 =	sld [smem:$0x3F9C];
	s0 =	simm.s32 @p1 $0x1  }
0x15: {  	[smem:$0x3FB9] =	sst s0;
	s0 =	simm.s32 @!p2 $0x0  }
0x16: {  	s3 =	sld [smem:$0x3FDB];
	s0 =	simm.s32 @p2 $0x1  }
0x17: {  	s4 =	simm.s32 $0x1BF5;
	[smem:$0x3FBB] =	sst s0  }
0x18: {  	s0 =	sld [smem:$0x3F9E];
	_ =	swait.ge [sflag:s4], $0x0  }
0x19: {  	s7 =	sld [smem:$0x3F9F]  }
0x1a: {  	s8 =	sadd.s32 $0xFFFFE003, lr  }
0x1b: {  	s9 =	sadd.s32 $0xFFFFFEF7, lr;
	s5 =	simm.s32 $0xFFFFFFFF;
	p2 =	slt.u32 s8, $0xFFFFF086  }
0x1c: {  	p1 =	slt.u32 s9, $0xF7A;
	s5 =	simm.s32 @!p2 $0x0  }
0x1d: {  	s5 =	simm.s32 @p1 $0x1;
	p0 =	seq.s32 s7, s2  }
0x1e: {  	s7 =	smul.u32 @!p0 $0xF7A, s2;
	p2 =	seq.s32 @!p0 s5, $0x0  }
0x1f: {  	s9 =	smul.u32 $0xF7A, s1;
	s8 =	simm.s32 @!p0 $0x1BF5;
	p2 =	por !p2, p0  }
0x20: {  	[sflag:s8] =	ssyncset.s32 @!p0 $0xFFFFF086;
	s6 =	sadd.s32 @!p0 s3, s7;
	s7 =	simm.s32 @!p0 $0x108  }
0x21: {  	s3 =	sadd.s32 s3, s9;
	s6 =	sadd.s32 @!p0 $0x88, s6;
	s7 =	simm.s32 @p2 $0x1082  }
0x22: {  	[simem:s7], [sflag:s8] =	dma.local @!p0 [hbm:s6], $0xF7A  }
0x23: {  	s9 =	sor.u32 $0xD0000000, s2;
	s6 =	simm.s32 $0x108;
	_ =	swait.ge @!p0 [sflag:s8], $0x0  }
0x24: {  	s3 =	sadd.s32 $0x88, s3;
	s6 =	simm.s32 @!p1 $0x1082;
	[sflag:s4] =	ssyncset.s32 $0xFFFFF086  }
0x25: {  	[simem:s6], [sflag:s4] =	dma.local [hbm:s3], $0xF7A  }
0x26: {  	[smem:$0x3F9F] =	sst s1;
	(tag) =	ssettag s2;
	_ =	strace s9  }
0x27: {  	s1 =	sld [smem:$0x3FAF]  }
0x28: {  	s2 =	sld [smem:$0x3FB0]  }
0x29: {  	s4 =	sld [smem:$0x3FB2]  }
0x2a: {  	p0 =	seq.s32 s5, $0x0;
	s5 =	sld [smem:$0x3FB3]  }
0x2b: {  	s6 =	sld [smem:$0x3FB4]  }
0x2c: {  	s7 =	sld [smem:$0x3FB5]  }
0x2d: {  	s3 =	simm.s32 $0x108;
	s8 =	sld [smem:$0x3FB6]  }
0x2e: {  	s3 =	simm.s32 @!p0 $0x1082;
	s9 =	sld [smem:$0x3FB7]  }
0x2f: {  	lr =	sadd.s32 s0, s3;
	s0 =	sld [smem:$0x3FAE]  }
0x30: {  	s3 =	sld [smem:$0x3FB1]  }
0x31: {  	[smem:$0x3FBA] =	sst s10  }
0x32: {  	s10 =	sld [smem:$0x3FB8];
	_ =	sdelay $0x3  }
0x33: {  	p0 =	seq.s32 s10, $0x1;
	s10 =	sld [smem:$0x3FBA];
	_ =	sdelay $0x3  }
0x34: {  	[smem:$0x3FBA] =	sst s10  }
0x35: {  	s10 =	sld [smem:$0x3FB9];
	_ =	sdelay $0x3  }
0x36: {  	p1 =	seq.s32 s10, $0x1;
	s10 =	sld [smem:$0x3FBA];
	_ =	sdelay $0x3  }
0x37: {  	[smem:$0x3FBA] =	sst s10  }
0x38: {  	s10 =	sld [smem:$0x3FBB]  }
0x39: {  	_ = 	snop;
	(pc) =	sbr.ind lr, $3  }
0x3a: {  	_ = 	snop  }
0x3b: {  	_ = 	snop  }
0x3c: {  	p2 =	seq.s32 s10, $0x1;
	s10 =	sld [smem:$0x3FBA]  }
0x3d: {  	_ =	shalt  }
0x3e: {  	_ =	shalt  }
0x3f: {  	_ =	shalt  }
0x40: {  	_ =	shalt  }
0x41: {  	_ =	shalt  }
0x42: {  	_ =	shalt  }
0x43: {  	_ =	shalt  }
0x44: {  	_ =	shalt  }
0x45: {  	_ =	shalt  }
0x46: {  	_ =	shalt  }
0x47: {  	_ =	shalt  }
0x48: {  	_ =	shalt  }
0x49: {  	_ =	shalt  }
0x4a: {  	_ =	shalt  }
0x4b: {  	_ =	shalt  }
0x4c: {  	_ =	shalt  }
0x4d: {  	_ =	shalt  }
0x4e: {  	_ =	shalt  }
0x4f: {  	_ =	shalt  }
0x50: {  	_ =	shalt  }
0x51: {  	_ =	shalt  }
0x52: {  	_ =	shalt  }
0x53: {  	_ =	shalt  }
0x54: {  	_ =	shalt  }
0x55: {  	_ =	shalt  }
0x56: {  	_ =	shalt  }
0x57: {  	_ =	shalt  }
0x58: {  	_ =	shalt  }
0x59: {  	_ =	shalt  }
0x5a: {  	_ =	shalt  }
0x5b: {  	_ =	shalt  }
0x5c: {  	_ =	shalt  }
0x5d: {  	_ =	shalt  }
0x5e: {  	_ =	shalt  }
0x5f: {  	_ =	shalt  }
0x60: {  	_ =	shalt  }
0x61: {  	_ =	shalt  }
0x62: {  	_ =	shalt  }
0x63: {  	_ =	shalt  }
0x64: {  	_ =	shalt  }
0x65: {  	_ =	shalt  }
0x66: {  	_ =	shalt  }
0x67: {  	_ =	shalt  }
0x68: {  	_ =	shalt  }
0x69: {  	_ =	shalt  }
0x6a: {  	_ =	shalt  }
0x6b: {  	_ =	shalt  }
0x6c: {  	_ =	shalt  }
0x6d: {  	_ =	shalt  }
0x6e: {  	_ =	shalt  }
0x6f: {  	_ =	shalt  }
0x70: {  	_ =	shalt  }
0x71: {  	_ =	shalt  }
0x72: {  	_ =	shalt  }
0x73: {  	_ =	shalt  }
0x74: {  	_ =	shalt  }
0x75: {  	_ =	shalt  }
0x76: {  	_ =	shalt  }
0x77: {  	_ =	shalt  }
0x78: {  	_ =	shalt  }
0x79: {  	_ =	shalt  }
0x7a: {  	_ =	shalt  }
0x7b: {  	_ =	shalt  }
0x7c: {  	_ =	shalt  }
0x7d: {  	_ =	shalt  }
0x7e: {  	_ =	shalt  }
0x7f: {  	_ =	shalt  }
0x80: {  	_ =	shalt  }
0x81: {  	_ =	shalt  }
0x82: {  	_ =	shalt  }
0x83: {  	_ =	shalt  }
0x84: {  	_ =	shalt  }
0x85: {  	_ =	shalt  }
0x86: {  	_ =	shalt  }
0x87: {  	_ =	shalt  }
.Lfunc_end0:
.L_simem_size_0:
called_computation_lowered:
.L_overlay_start_0:
0x88: {  	s2 =	sld [smem:$0x3FD9]  }
0x89: {  	s3 =	sld [smem:$0x3FFE];
	_ =	sdelay $0x1  }
0x8a: {  	s1 =	srdreg.scid  }
0x8b: {  	s0 =	sand.u32 $0x1, s1  }
0x8c: {  	s18 =	sshll.u32 s0, $0xA;
	s2 =	sadd.s32 s3, s2  }
0x8d: {  	s2 =	sadd.s32 s2, s18  }
0x8e: {  	[smem:$0x3FC6] =	sst s2  }
0x8f: {  	_ = 	snop  }
0x90: {  	s2 =	sld [smem:$0x3FC9]  }
0x91: {  	s19 =	sld [smem:$0x3FC8]  }
0x92: {  	s4 =	sld [smem:$0x3FD0];
	(tm) =	ssettm $0x1  }
0x93: {  	s5 =	sld [smem:$0x3FFB];
	_ =	sdelay $0x3  }
0x94: {  	_ =	strace s5  }
0x95: {  	s5 =	sld [smem:$0x3FFC];
	_ =	sdelay $0x3  }
0x96: {  	_ =	strace s5  }
0x97: {  	s5 =	sld [smem:$0x3FFD];
	_ =	sdelay $0x3  }
0x98: {  	_ =	strace s5  }
0x99: {  	_ =	strace $0x8FFFFFFF  }
0x9a: {  	s20 =	sld [smem:$0x3FDB];
	_ =	sdelay $0x1  }
0x9b: {  	s6 =	simm.s32 $_scs_section_size  }
0x9c: {  	s7 =	simm.s32 $_size__tile_overlayer_lowered;
	s8 =	simm.s32 $_tile_overlayer_lowered  }
0x9d: {  	s23 =	simm.s32 $0x1BFF;
	s22 =	sshll.u32 s8, $0x1;
	s5 =	sadd.s32 s6, s20  }
0x9e: {  	s9 =	simm.s32 $0x0;
	s21 =	sshll.u32 s7, $0x1;
	s7 =	sadd.s32 s22, s5  }
0x9f: {  	[timem:s9], [sflag:s23] =	dma.local [hbm:s7], s21  }
0xa0: {  	_ =	swait.ge [sflag:s23], s21  }
0xa1: {  	s6 =	ssub.s32 $0x0, s21;
	[sflag:s23] =	ssyncset.done $0x0  }
0xa2: {  	[sflag:s23] =	ssyncadd.s32 s6;
	_ =	sdelay $0x1  }
0xa3: {  	s24 =	simm.s32 $0x1B8B  }
0xa4: {  	_ =	swait.ge [sflag:s24], $0x1  }
0xa5: {  	[sflag:s24] =	ssyncset.done $0x0  }
0xa6: {  	s25 =	simm.s32 $0x1B8E;
	[sflag:s24] =	ssyncadd.s32 $0xFFFFFFFF  }
0xa7: {  	s26 =	simm.s32 $execute0_lowered;
	[smem:$0x3FD2] =	sst s25  }
0xa8: {  	s6 =	sshll.u32 s26, $0x1;
	_ =	strace $0x80000046;
	[dreg:$0x1] =	wrdreg $0xFFFFFFFF  }
0xa9: {  	s28 =	simm.s32 $_size_execute0_lowered;
	s5 =	sadd.s32 s5, s6;
	[dreg:$0x0] =	wrdreg $0x0  }
0xaa: {  	s6 =	sshll.u32 s28, $0x1;
	[dreg:$0x2] =	wrdreg s5  }
0xab: {  	[dreg:$0x3] =	wrdreg s6  }
0xac: {  	[dreg:$0x4] =	wrdreg $0xC0  }
0xad: {  	_ =	task [dreg:s9], $0x5FFFF  }
0xae: {  	[dreg:$0x1] =	wrdreg $0xFFFFFFFF  }
0xaf: {  	[dreg:$0x0] =	wrdreg $0x60  }
0xb0: {  	[dreg:$0x2] =	wrdreg s2  }
0xb1: {  	[dreg:$0x3] =	wrdreg s19  }
0xb2: {  	[dreg:$0x4] =	wrdreg s4  }
0xb3: {  	[dreg:$0x5] =	wrdreg $0x9  }
0xb4: {  	_ =	task.clear_ibuf [dreg:s9], $0x6FFFF;
	_ =	strace $0x90000046  }
0xb5: {  	s29 =	simm.s32 $0x9;
	_ =	strace $0x80000048  }
0xb6: {  	_ =	swait.ge [sflag:s29], $0x1  }
0xb7: {  	[sflag:s29] =	ssyncadd.s32 $0xFFFFFFFF  }
0xb8: {  	_ =	strace $0x90000048  }
0xb9: {  	_ =	sfence  }
0xba: {  	s30 =	sld [smem:$0x0];
	_ =	sdelay $0x2  }
0xbb: {  	s31 =	sshll.u32 s1, $0xD;
	s1 =	sshrl.u32 s1, $0x2  }
0xbc: {  	s3 =	sand.u32 $0x4000, s31;
	s1 =	sadd.s32 s1, s30  }
0xbd: {  	s0 =	sor.u32 s3, s0;
	s1 =	sshll.u32 s1, $0x11  }
0xbe: {  	s0 =	sor.u32 s1, s0  }
0xbf: {  	s0 =	sadd.s32 $0x8F2B, s0  }
0xc0: {  	[sflag:s0] =	ssyncadd.remote.s32 $0x1  }
0xc1: {  	_ =	sfence.sel $0xFFFF  }
0xc2: {  	[dreg:$0x0] =	wrdreg $0xFFFFFFFF;
	(pc) =	sbr.abs _section_cstart, $3  }
0xc3: {  	[dreg:$0x1] =	wrdreg $0xFFFFFFFF  }
0xc4: {  	_ =	task.clear_ibuf [dreg:s9], $0x2FFFF;
	_ =	strace $0x9FFFFFFF  }
0xc5: {  	(tm) =	ssettm $0x7FFFFFFF  }
tec
execute0_lowered:
.L_overlay_start_1:
0x0: {  	(tag) =	ssettag $0x1  }
0x1: {  	s5 =	rddreg [dreg:$0x0]  }
0x2: {  	s3 =	rddreg [dreg:$0x1];
	s0 =	srdreg.scid  }
0x3: {  	s6 =	rddreg [dreg:$0x2];
	s1 =	stileid.u32;
	s2 =	simm.s32 $0x0  }
0x4: {  	s10 =	simm.s32 $0x80;
	s11 =	simm.s32 $0x400;
	s12 =	simm.s32 $0x1  }
0x5: {  	s13 =	simm.s32 $0x2;
	s14 =	simm.s32 $0x3;
	s15 =	simm.s32 $0x10200  }
0x6: {  	s16 =	simm.s32 $0x4;
	s17 =	simm.s32 $0x0;
	s4 =	sand.u32 $0x1, s0  }
0x7: {  	s0 =	rddreg [dreg:$0x3];
	s7 =	sshll.u32 s1, $0xA;
	s8 =	sshll.u32 s4, $0x9  }
0x8: {  	[smem:$0x7FF] =	sst s2;
	s4 =	ssub.s32 $0x2, s4;
	s7 =	sor.u32 s8, s7  }
0x9: {  	_ =	strace $0x80000047;
	s31 =	sshrl.u32 s4, $0x1;
	s9 =	sshll.u32 s7, $0x4  }
0xa: {  	s8 =	ssub.s32 s4, s31;
	s5 =	sadd.s32 s5, s7;
	s7 =	sshrl.u32 s7, $0x3  }
0xb: {  	v0 =	vlaneseq.u32;
	s3 =	sadd.s32 s3, s9;
	s6 =	sadd.s32 s6, s7;
	s7 =	smax.u32 s8, $0x1  }
0xc: {  	v0 =	vmul.u32 $0x80, v0;
	s8 =	simm.s32 $0x200;
	s9 =	simm.s32 $0x8200;
	s4 =	sadd.s32 $0x1000, s3  }
.LBB2_1:
0xd: {  	[tilespmem:s8], [sflag:$0x2] =	stream.linear.gather [hbm4b:s3+s2], $0x8000, $0x38;
	[tilespmem:$0x10400] =	vst v63  }
0xe: {  	_ = 	snop  }
0xf: {  	[tilespmem:s9], [sflag:$0x3] =	stream.linear.gather [hbm4b:s4+s2], $0x8000, $0x38;
	[tilespmem:$0x10400] =	vst v63  }
0x10: {  	_ = 	snop  }
0x11: {  	[tilespmem:s2], [sflag:$0x1] =	stream.strided.gather [hbm4b:s5+s10], $0x200, s11, s10, $0x38;
	[tilespmem:$0x10400] =	vst v63  }
0x12: {  	_ =	swait.ge [sflag:s12], $0x200  }
0x13: {  	[sflag:s12] =	ssyncset.done $0x0  }
0x14: {  	[sflag:s12] =	ssyncadd.s32 $0xFFFFFE00  }
0x15: {  	_ =	swait.ge [sflag:s13], $0x8000  }
0x16: {  	[sflag:s13] =	ssyncset.done $0x0  }
0x17: {  	[sflag:s13] =	ssyncadd.s32 $0xFFFF8000  }
0x18: {  	v1 =	vld [tilespmem:s2+$0x0];
	_ =	sdelay $0x4  }
0x19: {  	v1 =	vtrunc.f32 v1  }
0x1a: {  	v2 =	vmov s2;
	v1 =	vcvt.f32.s32 v1  }
0x1b: {  	v2 =	vshll.u32 v2, $0x7  }
0x1c: {  	v2 =	vor.u32 v0, v2;
	v3 =	vand.u32 $0xFFFFFF80, v1  }
0x1d: {  	v1 =	vand.u32 $0x7F, v1;
	v2 =	vadd.s32 v2, v3  }
0x1e: {  	v1 =	vor.u32 v1, v2;
	_ =	sdelay $0x4  }
0x1f: {  	v1 =	vld.idx.msk [tilespmem:v1+s8+$0x0], $0xffff;
	_ =	sdelay $0x4  }
0x20: {  	v1 =	vmul.f32 $9.990000120e-01, v1;
	_ =	sdelay $0x1  }
0x21: {  	s19 =	simm.s32 $0x10;
	[tilespmem:s15+$0x0] =	vst v1  }
0x22: {  	s20 =	simm.s32 $0x20;
	s18 =	simm.s32 $0x10200;
	s21 =	simm.s32 $0x10;
	v1 =	vld [tilespmem:s19+$0x0]  }
.LBB2_2:
0x23: {  	p0 =	sne.s32 s20, $0xF0;
	_ =	sdelay $0x3  }
0x24: {  	v1 =	vtrunc.f32 v1  }
0x25: {  	v2 =	vmov s19;
	s19 =	smov.u32 s20;
	v1 =	vcvt.f32.s32 v1  }
0x26: {  	v2 =	vshll.u32 v2, $0x7  }
0x27: {  	v2 =	vor.u32 v0, v2;
	v3 =	vand.u32 $0xFFFFFF80, v1  }
0x28: {  	v1 =	vand.u32 $0x7F, v1;
	v2 =	vadd.s32 v2, v3  }
0x29: {  	v1 =	vor.u32 v1, v2;
	_ =	sdelay $0x4  }
0x2a: {  	v1 =	vld.idx.msk [tilespmem:v1+s8+$0x0], $0xffff;
	_ =	sdelay $0x4  }
.Ltmp0:
0x2b: {  	(pc) =	sbr.rel @p0 .LBB2_2-.Ltmp0, $4  }
0x2c: {  	v1 =	vmul.f32 $9.990000120e-01, v1  }
0x2d: {  	s18 =	sadd.s32 $0x10, s18  }
0x2e: {  	s21 =	sadd.s32 $0x10, s21;
	[tilespmem:s18+$0x0] =	vst v1  }
0x2f: {  	s20 =	sadd.s32 $0x10, s20;
	v1 =	vld [tilespmem:s21+$0x0]  }
0x30: {  	_ =	sdelay $0x3  }
0x31: {  	v1 =	vtrunc.f32 v1  }
0x32: {  	v2 =	vmov s19;
	v1 =	vcvt.f32.s32 v1  }
0x33: {  	v2 =	vshll.u32 v2, $0x7  }
0x34: {  	v2 =	vor.u32 v0, v2;
	v3 =	vand.u32 $0xFFFFFF80, v1  }
0x35: {  	v1 =	vand.u32 $0x7F, v1;
	v2 =	vadd.s32 v2, v3  }
0x36: {  	v1 =	vor.u32 v1, v2;
	_ =	sdelay $0x4  }
0x37: {  	v1 =	vld.idx.msk [tilespmem:v1+s8+$0x0], $0xffff;
	_ =	sdelay $0x4  }
0x38: {  	v1 =	vmul.f32 $9.990000120e-01, v1  }
0x39: {  	s18 =	sadd.s32 $0x10, s18  }
0x3a: {  	[tilespmem:s18+$0x0] =	vst v1  }
0x3b: {  	_ =	swait.ge [sflag:s14], $0x8000  }
0x3c: {  	[sflag:s14] =	ssyncset.done $0x0  }
0x3d: {  	s31 =	simm.s32 $0x100;
	[sflag:s14] =	ssyncadd.s32 $0xFFFF8000  }
0x3e: {  	v1 =	vld [tilespmem:s31+$0x0];
	_ =	sdelay $0x4  }
0x3f: {  	v1 =	vtrunc.f32 v1  }
0x40: {  	v2 =	vmov s31;
	v1 =	vcvt.f32.s32 v1  }
0x41: {  	v2 =	vshll.u32 v2, $0x7  }
0x42: {  	v2 =	vor.u32 v0, v2;
	v3 =	vand.u32 $0xFFFFFF80, v1  }
0x43: {  	v1 =	vand.u32 $0x7F, v1;
	v2 =	vadd.s32 v2, v3  }
0x44: {  	v1 =	vor.u32 v1, v2;
	_ =	sdelay $0x4  }
0x45: {  	v1 =	vld.idx.msk [tilespmem:v1+s8+$0x0], $0xffff;
	_ =	sdelay $0x4  }
0x46: {  	v1 =	vmul.f32 $9.990000120e-01, v1  }
0x47: {  	s18 =	simm.s32 $0x10300  }
0x48: {  	s19 =	simm.s32 $0x110;
	[tilespmem:s18+$0x0] =	vst v1  }
0x49: {  	s20 =	simm.s32 $0x120;
	s21 =	simm.s32 $0x110;
	v1 =	vld [tilespmem:s19+$0x0]  }
.LBB2_4:
0x4a: {  	p0 =	sne.s32 s20, $0x1F0;
	_ =	sdelay $0x3  }
0x4b: {  	v1 =	vtrunc.f32 v1  }
0x4c: {  	v2 =	vmov s19;
	s19 =	smov.u32 s20;
	v1 =	vcvt.f32.s32 v1  }
0x4d: {  	v2 =	vshll.u32 v2, $0x7  }
0x4e: {  	v2 =	vor.u32 v0, v2;
	v3 =	vand.u32 $0xFFFFFF80, v1  }
0x4f: {  	v1 =	vand.u32 $0x7F, v1;
	v2 =	vadd.s32 v2, v3  }
0x50: {  	v1 =	vor.u32 v1, v2;
	_ =	sdelay $0x4  }
0x51: {  	v1 =	vld.idx.msk [tilespmem:v1+s8+$0x0], $0xffff;
	_ =	sdelay $0x4  }
.Ltmp1:
0x52: {  	(pc) =	sbr.rel @p0 .LBB2_4-.Ltmp1, $4  }
0x53: {  	v1 =	vmul.f32 $9.990000120e-01, v1  }
0x54: {  	s18 =	sadd.s32 $0x10, s18  }
0x55: {  	s21 =	sadd.s32 $0x10, s21;
	[tilespmem:s18+$0x0] =	vst v1  }
0x56: {  	s20 =	sadd.s32 $0x10, s20;
	v1 =	vld [tilespmem:s21+$0x0]  }
0x57: {  	_ =	sdelay $0x3  }
0x58: {  	v1 =	vtrunc.f32 v1  }
0x59: {  	v2 =	vmov s19;
	v1 =	vcvt.f32.s32 v1  }
0x5a: {  	v2 =	vshll.u32 v2, $0x7  }
0x5b: {  	v2 =	vor.u32 v0, v2;
	v3 =	vand.u32 $0xFFFFFF80, v1  }
0x5c: {  	v1 =	vand.u32 $0x7F, v1;
	v2 =	vadd.s32 v2, v3  }
0x5d: {  	v1 =	vor.u32 v1, v2;
	_ =	sdelay $0x4  }
0x5e: {  	v1 =	vld.idx.msk [tilespmem:v1+s8+$0x0], $0xffff;
	_ =	sdelay $0x4  }
0x5f: {  	s17 =	sadd.s32 $0x1, s17;
	v1 =	vmul.f32 $9.990000120e-01, v1  }
0x60: {  	s18 =	sadd.s32 $0x10, s18;
	p0 =	sne.s32 s17, s7  }
.Ltmp2:
0x61: {  	[tilespmem:s18+$0x0] =	vst v1;
	(pc) =	sbr.rel @p0 .LBB2_1-.Ltmp2, $4  }
0x62: {  	[hbm4b:s6+s2] =	stream.linear.scatter [tilespmem:s15], [sflag:$0x4], $0x200, $0x38;
	[tilespmem:$0x10400] =	vst v63  }
0x63: {  	_ =	swait.ge [sflag:s16], $0x200  }
0x64: {  	[sflag:s16] =	ssyncset.done $0x0  }
0x65: {  	[sflag:s16] =	ssyncadd.s32 $0xFFFFFE00  }
0x66: {  	_ =	sfence.sel $0x180000  }
0x67: {  	[bflag:$0x0] =	sbarrier.arrive $0xFFFF  }
0x68: {  	p0 =	sne.s32 s1, $0x0;
	_ =	strace $0x90000047  }
0x69: {  	s0 =	sadd.s32 @!p0 $0x100000, s0;
	[bflag:$0x2] =	sbarrier.arrive $0xFFFF  }
0x6a: {  	[sflag:s0] =	ssyncadd.tile.s32 @!p0 $0x1;
	_ =	shalt  }
.Lfunc_end2:
_tile_overlayer_lowered:
.L_overlay_start_2:
0x6b: {  	(tag) =	ssettag $0x2  }
0x6c: {  	s0 =	rddreg [dreg:$0x0];
	s2 =	stileid.u32  }
0x6d: {  	s1 =	rddreg [dreg:$0x1];
	p0 =	sne.s32 s2, $0x0  }
0x6e: {  	s3 =	rddreg [dreg:$0x2];
	[bflag:$0x3] =	sbarrier.arrive $0xFFFF;
	s2 =	simm.s32 @!p0 $0x1C04  }
0x6f: {  	[timem:s3], [sflag:s2] =	dma.local @!p0 [hbm:s0], s1  }
0x70: {  	s0 =	simm.s32 @!p0 $0x4  }
0x71: {  	_ =	swait.ge @!p0 [sflag:s0], s1  }
0x72: {  	s1 =	ssub.s32 @!p0 $0x0, s1;
	[sflag:s0] =	ssyncset.done @!p0 $0x0  }
0x73: {  	[sflag:s0] =	ssyncadd.s32 @!p0 s1  }
0x74: {  	[bflag:$0x3] =	sbarrier.arrive $0xFFFF  }
0x75: {  	_ =	shalt  }

</sc_bundles>
